<compile_context>
chip_gen: v7x
topology: tpu7x:2x2x1
jax: 0.10.2.dev20260603
libtpu: 0.0.44.dev20260713+nightly
codegen_flags: <defaults>
</compile_context>

<pallas_src>
import functools

import jax
import jax.numpy as jnp
from jax import lax
from jax.experimental import pallas as pl
from jax.experimental.pallas import tpu as pltpu
from jax.experimental.pallas import tpu_sc as plsc

N_NODES = 10000
N_EDGES = 320000
D = 128

NC = 2
NS = 16
NW = NC * NS
E_PER_W = N_EDGES // NW
CH = 80
NCHUNK = 128
HC = 64
E_PAD_W = NCHUNK * CH
N_PAD = 10240
ROWS_PER_TILE = N_PAD // NS

_MESH = plsc.VectorSubcoreMesh(
    core_axis_name="c", subcore_axis_name="s", num_cores=NC, num_subcores=NS
)


@functools.partial(
    pl.kernel,
    out_type=jax.ShapeDtypeStruct((NC, N_PAD, D), jnp.float32),
    mesh=_MESH,
    scratch_types=[
        pltpu.VMEM((HC, CH), jnp.int32),
        pltpu.VMEM((HC, CH), jnp.int32),
        pltpu.VMEM((2, CH, D), jnp.float32),
        pltpu.VMEM_SHARED((N_PAD, D), jnp.float32),
        pltpu.SemaphoreType.DMA((2,)),
    ],
)
def _sc_segment_sum(src_hbm, dst_hbm, x_hbm, zeros_hbm, part_hbm,
                    src_v, dst_v, rows_v, h_sh, ssem):
    c = lax.axis_index("c")
    s = lax.axis_index("s")
    wid = c * NS + s

    row0 = s * ROWS_PER_TILE
    pltpu.sync_copy(zeros_hbm.at[pl.ds(row0, ROWS_PER_TILE)],
                    h_sh.at[pl.ds(row0, ROWS_PER_TILE)])
    plsc.subcore_barrier()

    def gather(j, b):
        pltpu.sync_copy(x_hbm.at[src_v.at[j]], rows_v.at[b])

    def scatter_start(j, b):
        return pltpu.async_copy(rows_v.at[b], h_sh.at[dst_v.at[j]],
                                ssem.at[b], add=True)

    def step(t, carry):
        j0 = 2 * t
        gather(j0, 0)
        d0 = scatter_start(j0, 0)
        gather(j0 + 1, 1)
        d0.wait()
        d1 = scatter_start(j0 + 1, 1)
        d1.wait()
        return carry

    def process_half(half, carry):
        base = pl.multiple_of(half * HC, 8)
        pltpu.sync_copy(src_hbm.at[wid, pl.ds(base, HC)], src_v)
        pltpu.sync_copy(dst_hbm.at[wid, pl.ds(base, HC)], dst_v)
        lax.fori_loop(0, HC // 2, step, 0)
        return carry

    lax.fori_loop(0, NCHUNK // HC, process_half, 0)

    plsc.subcore_barrier()
    pltpu.sync_copy(h_sh.at[pl.ds(row0, ROWS_PER_TILE)],
                    part_hbm.at[c, pl.ds(row0, ROWS_PER_TILE)])


def _tc_linear_body(p0_ref, p1_ref, wt_ref, b_ref, o_ref):
    h = p0_ref[...] + p1_ref[...]
    o_ref[...] = (
        jnp.dot(h, wt_ref[...], preferred_element_type=jnp.float32) + b_ref[...]
    )


def _tc_linear(p0, p1, w_t, b2d):
    return pl.pallas_call(
        _tc_linear_body,
        out_shape=jax.ShapeDtypeStruct((N_PAD, D), jnp.float32),
    )(p0, p1, w_t, b2d)


def kernel(inputs, edge_index, W, b):
    src = edge_index[0].reshape(NW, E_PER_W)
    dst = edge_index[1].reshape(NW, E_PER_W)
    if E_PAD_W != E_PER_W:
        pad_n = E_PAD_W - E_PER_W
        pad_dst = N_NODES + jnp.arange(pad_n, dtype=jnp.int32) % (
            N_PAD - N_NODES)
        pad_src = jnp.arange(pad_n, dtype=jnp.int32) % N_NODES
        src = jnp.concatenate(
            [src, jnp.broadcast_to(pad_src, (NW, pad_n))], axis=1)
        dst = jnp.concatenate(
            [dst, jnp.broadcast_to(pad_dst, (NW, pad_n))], axis=1)
    src = src.reshape(NW, NCHUNK, CH)
    dst = dst.reshape(NW, NCHUNK, CH)
    zeros = jnp.zeros((N_PAD, D), jnp.float32)
    partials = _sc_segment_sum(src, dst, inputs, zeros)
    out = _tc_linear(partials[0], partials[1], W.T, b.reshape(1, D))
    return out[:N_NODES]

# --- scband reference (transcript-rebuilt; emitter-appended) ---
"""Pipeline reference for scband-graph-convolution-layer-2396591751760 (READ-ONLY COPY).

The authoritative reference and input builder live on the scoring server;
editing this copy changes nothing except your own understanding.
"""

import jax, jax.numpy as jnp
import numpy as np

N_NODES = 10000
N_EDGES = 320000
D_IN = 128
D_OUT = 128


def setup_inputs(seed: int = 0) -> dict:
    key = jax.random.key(seed)
    k1, k2, k3, k4 = jax.random.split(key, 4)
    inputs = jax.random.normal(k1, (N_NODES, D_IN), dtype=jnp.float32)
    edge_index = jax.random.randint(k2, (2, N_EDGES), 0, N_NODES, dtype=jnp.int32)
    # nn.Linear(in_features, out_features): weight [out, in], bias [out]
    bound = 1.0 / np.sqrt(D_IN)
    W = jax.random.uniform(k3, (D_OUT, D_IN), dtype=jnp.float32, minval=-bound, maxval=bound)
    b = jax.random.uniform(k4, (D_OUT,), dtype=jnp.float32, minval=-bound, maxval=bound)
    return {"inputs": inputs, "edge_index": edge_index, "W": W, "b": b}


def reference(inputs, edge_index, W, b):
    # DGL update_all(gcn_message, gcn_reduce):
    #   message: msg = src node feature h
    #   reduce:  h[dst] = sum over incoming messages
    src = edge_index[0]
    dst = edge_index[1]
    msgs = jnp.take(inputs, src, axis=0)               # gather: [E, D_IN]
    h = jax.ops.segment_sum(msgs, dst, num_segments=N_NODES)  # scatter-add: [N, D_IN]
    # linear layer
    out = h @ W.T + b                                   # [N, D_OUT]
    return out

if __name__ == "__main__":
    import jax
    _d = setup_inputs()
    print(jax.jit(kernel)(*tuple(_d.values())))

</pallas_src>

<mosaic_0001>
#map = affine_map<(d0, d1) -> (0, 0, 0)>
#map1 = affine_map<(d0, d1) -> (0, 0)>
module attributes {stable_mosaic.version = 14 : i64} {
  func.func @_sc_segment_sum(%arg0: i32, %arg1: i32, %arg2: memref<32x128x80xi32, #tpu.memory_space<hbm>>, %arg3: memref<32x128x80xi32, #tpu.memory_space<hbm>>, %arg4: memref<10000x128xf32, #tpu.memory_space<hbm>>, %arg5: memref<10240x128xf32, #tpu.memory_space<hbm>>, %arg6: memref<2x10240x128xf32, #tpu.memory_space<hbm>>, %arg7: memref<64x80xi32, #tpu.memory_space<vmem>>, %arg8: memref<64x80xi32, #tpu.memory_space<vmem>>, %arg9: memref<2x80x128xf32, #tpu.memory_space<vmem>>, %arg10: memref<10240x128xf32, #tpu.memory_space<vmem_shared>>, %arg11: memref<2x!tpu.dma_semaphore, #tpu.memory_space<semaphore_mem>>) attributes {dimension_semantics = [#tpu.dimension_semantics<core_parallel>, #tpu.dimension_semantics<subcore_parallel>], iteration_bounds = array<i64: 2, 16>, scalar_prefetch = 0 : i64, scratch_operands = 5 : i64, tpu.core_type = #tpu.core_type<sc_vector_subcore>, window_params = [{transform_indices = #map}, {transform_indices = #map}, {transform_indices = #map1}, {transform_indices = #map1}, {transform_indices = #map}]} {
    %mul3A = arith.constant 16 : i32
    %mul3A_0 = arith.muli %arg0, %mul3A : i32
    %add3A = arith.addi %mul3A_0, %arg1 : i32
    %mul3A_1 = arith.constant 640 : i32
    %mul3A_2 = arith.muli %arg1, %mul3A_1 : i32
    "tpu.region"() ({
      %run_scoped3A = tpu.sem_alloc : memref<!tpu.dma_semaphore, #tpu.memory_space<semaphore_mem>>
      %dma_start3A = arith.constant 0 : i32
      %dma_start3A_9 = tpu.memref_slice %arg10[%mul3A_2, %dma_start3A] : memref<10240x128xf32, #tpu.memory_space<vmem_shared>> -> memref<640x128xf32, #tpu.memory_space<vmem_shared>>
      %dma_start3A_10 = arith.constant 0 : i32
      %dma_start3A_11 = tpu.memref_slice %arg5[%mul3A_2, %dma_start3A_10] : memref<10240x128xf32, #tpu.memory_space<hbm>> -> memref<640x128xf32, #tpu.memory_space<hbm>>
      tpu.enqueue_dma source(%dma_start3A_11 : memref<640x128xf32, #tpu.memory_space<hbm>>) target(%dma_start3A_9 : memref<640x128xf32, #tpu.memory_space<vmem_shared>>) target_semaphore(%run_scoped3A : memref<!tpu.dma_semaphore, #tpu.memory_space<semaphore_mem>>)
      %dma_wait3A = arith.constant 0 : i32
      %dma_wait3A_12 = tpu.memref_slice %arg10[%mul3A_2, %dma_wait3A] : memref<10240x128xf32, #tpu.memory_space<vmem_shared>> -> memref<640x128xf32, #tpu.memory_space<vmem_shared>>
      %dma_wait3A_13 = arith.constant 0 : i32
      %dma_wait3A_14 = tpu.memref_slice %arg5[%mul3A_2, %dma_wait3A_13] : memref<10240x128xf32, #tpu.memory_space<hbm>> -> memref<640x128xf32, #tpu.memory_space<hbm>>
      tpu.wait_dma2 semaphore(%run_scoped3A : memref<!tpu.dma_semaphore, #tpu.memory_space<semaphore_mem>>) src(%dma_wait3A_14 : memref<640x128xf32, #tpu.memory_space<hbm>>) dst(%dma_wait3A_12 : memref<640x128xf32, #tpu.memory_space<vmem_shared>>)
      tpu.yield
    }) : () -> ()
    %barrier3A = arith.constant 0 : index
    tpu.barrier barrier_id(%barrier3A)
    %scan3A = arith.constant 0 : i32
    %scan3A_3 = arith.constant 0 : i32
    %scan3A_4 = arith.constant 2 : i32
    %scan3A_5 = arith.addi %scan3A_3, %scan3A_4 : i32
    %scan3A_6 = arith.constant 1 : i32
    scf.for %scan3A_9 = %scan3A_3 to %scan3A_5 step %scan3A_6  : i32 {
      %mul3A_10 = arith.constant 64 : i32
      %mul3A_11 = arith.muli %scan3A_9, %mul3A_10 : i32
      %multiple_of3A = tpu.assume_multiple %mul3A_11, 8 : i32
      "tpu.region"() ({
        %run_scoped3A = tpu.sem_alloc : memref<!tpu.dma_semaphore, #tpu.memory_space<semaphore_mem>>
        %dma_start3A = arith.constant 0 : i32
        %dma_start3A_18 = tpu.memref_slice %arg2[%add3A, %multiple_of3A, %dma_start3A] : memref<32x128x80xi32, #tpu.memory_space<hbm>> -> memref<1x64x80xi32, #tpu.memory_space<hbm>>
        %dma_start3A_19 = tpu.memref_squeeze %dma_start3A_18 : memref<1x64x80xi32, #tpu.memory_space<hbm>> -> memref<64x80xi32, #tpu.memory_space<hbm>>
        %dma_start3A_20 = arith.constant 0 : i32
        %dma_start3A_21 = tpu.memref_slice %arg2[%add3A, %multiple_of3A, %dma_start3A_20] : memref<32x128x80xi32, #tpu.memory_space<hbm>> -> memref<1x64x80xi32, #tpu.memory_space<hbm>>
        %dma_start3A_22 = tpu.memref_squeeze %dma_start3A_21 : memref<1x64x80xi32, #tpu.memory_space<hbm>> -> memref<64x80xi32, #tpu.memory_space<hbm>>
        tpu.enqueue_dma source(%dma_start3A_22 : memref<64x80xi32, #tpu.memory_space<hbm>>) target(%arg7 : memref<64x80xi32, #tpu.memory_space<vmem>>) target_semaphore(%run_scoped3A : memref<!tpu.dma_semaphore, #tpu.memory_space<semaphore_mem>>)
        %dma_wait3A = arith.constant 0 : i32
        %dma_wait3A_23 = tpu.memref_slice %arg2[%add3A, %multiple_of3A, %dma_wait3A] : memref<32x128x80xi32, #tpu.memory_space<hbm>> -> memref<1x64x80xi32, #tpu.memory_space<hbm>>
        %dma_wait3A_24 = tpu.memref_squeeze %dma_wait3A_23 : memref<1x64x80xi32, #tpu.memory_space<hbm>> -> memref<64x80xi32, #tpu.memory_space<hbm>>
        %dma_wait3A_25 = arith.constant 0 : i32
        %dma_wait3A_26 = tpu.memref_slice %arg2[%add3A, %multiple_of3A, %dma_wait3A_25] : memref<32x128x80xi32, #tpu.memory_space<hbm>> -> memref<1x64x80xi32, #tpu.memory_space<hbm>>
        %dma_wait3A_27 = tpu.memref_squeeze %dma_wait3A_26 : memref<1x64x80xi32, #tpu.memory_space<hbm>> -> memref<64x80xi32, #tpu.memory_space<hbm>>
        tpu.wait_dma2 semaphore(%run_scoped3A : memref<!tpu.dma_semaphore, #tpu.memory_space<semaphore_mem>>) src(%dma_wait3A_27 : memref<64x80xi32, #tpu.memory_space<hbm>>) dst(%arg7 : memref<64x80xi32, #tpu.memory_space<vmem>>)
        tpu.yield
      }) : () -> ()
      "tpu.region"() ({
        %run_scoped3A = tpu.sem_alloc : memref<!tpu.dma_semaphore, #tpu.memory_space<semaphore_mem>>
        %dma_start3A = arith.constant 0 : i32
        %dma_start3A_18 = tpu.memref_slice %arg3[%add3A, %multiple_of3A, %dma_start3A] : memref<32x128x80xi32, #tpu.memory_space<hbm>> -> memref<1x64x80xi32, #tpu.memory_space<hbm>>
        %dma_start3A_19 = tpu.memref_squeeze %dma_start3A_18 : memref<1x64x80xi32, #tpu.memory_space<hbm>> -> memref<64x80xi32, #tpu.memory_space<hbm>>
        %dma_start3A_20 = arith.constant 0 : i32
        %dma_start3A_21 = tpu.memref_slice %arg3[%add3A, %multiple_of3A, %dma_start3A_20] : memref<32x128x80xi32, #tpu.memory_space<hbm>> -> memref<1x64x80xi32, #tpu.memory_space<hbm>>
        %dma_start3A_22 = tpu.memref_squeeze %dma_start3A_21 : memref<1x64x80xi32, #tpu.memory_space<hbm>> -> memref<64x80xi32, #tpu.memory_space<hbm>>
        tpu.enqueue_dma source(%dma_start3A_22 : memref<64x80xi32, #tpu.memory_space<hbm>>) target(%arg8 : memref<64x80xi32, #tpu.memory_space<vmem>>) target_semaphore(%run_scoped3A : memref<!tpu.dma_semaphore, #tpu.memory_space<semaphore_mem>>)
        %dma_wait3A = arith.constant 0 : i32
        %dma_wait3A_23 = tpu.memref_slice %arg3[%add3A, %multiple_of3A, %dma_wait3A] : memref<32x128x80xi32, #tpu.memory_space<hbm>> -> memref<1x64x80xi32, #tpu.memory_space<hbm>>
        %dma_wait3A_24 = tpu.memref_squeeze %dma_wait3A_23 : memref<1x64x80xi32, #tpu.memory_space<hbm>> -> memref<64x80xi32, #tpu.memory_space<hbm>>
        %dma_wait3A_25 = arith.constant 0 : i32
        %dma_wait3A_26 = tpu.memref_slice %arg3[%add3A, %multiple_of3A, %dma_wait3A_25] : memref<32x128x80xi32, #tpu.memory_space<hbm>> -> memref<1x64x80xi32, #tpu.memory_space<hbm>>
        %dma_wait3A_27 = tpu.memref_squeeze %dma_wait3A_26 : memref<1x64x80xi32, #tpu.memory_space<hbm>> -> memref<64x80xi32, #tpu.memory_space<hbm>>
        tpu.wait_dma2 semaphore(%run_scoped3A : memref<!tpu.dma_semaphore, #tpu.memory_space<semaphore_mem>>) src(%dma_wait3A_27 : memref<64x80xi32, #tpu.memory_space<hbm>>) dst(%arg8 : memref<64x80xi32, #tpu.memory_space<vmem>>)
        tpu.yield
      }) : () -> ()
      %scan3A_12 = arith.constant 0 : i32
      %scan3A_13 = arith.constant 0 : i32
      %scan3A_14 = arith.constant 32 : i32
      %scan3A_15 = arith.addi %scan3A_13, %scan3A_14 : i32
      %scan3A_16 = arith.constant 1 : i32
      scf.for %scan3A_18 = %scan3A_13 to %scan3A_15 step %scan3A_16  : i32 {
        %mul3A_19 = arith.constant 2 : i32
        %mul3A_20 = arith.muli %mul3A_19, %scan3A_18 : i32
        %run_scoped3A = arith.constant 0 : i32
        "tpu.region"() ({
          %run_scoped3A_80 = tpu.sem_alloc : memref<!tpu.dma_semaphore, #tpu.memory_space<semaphore_mem>>
          %dma_start3A_81 = arith.constant 0 : i32
          %dma_start3A_82 = arith.constant 0 : i32
          %dma_start3A_83 = tpu.memref_slice %arg9[%run_scoped3A, %dma_start3A_81, %dma_start3A_82] : memref<2x80x128xf32, #tpu.memory_space<vmem>> -> memref<1x80x128xf32, #tpu.memory_space<vmem>>
          %dma_start3A_84 = tpu.memref_squeeze %dma_start3A_83 : memref<1x80x128xf32, #tpu.memory_space<vmem>> -> memref<80x128xf32, #tpu.memory_space<vmem>>
          %dma_start3A_85 = arith.constant 0 : i32
          %dma_start3A_86 = tpu.memref_slice %arg7[%mul3A_20, %dma_start3A_85] : memref<64x80xi32, #tpu.memory_space<vmem>> -> memref<1x80xi32, #tpu.memory_space<vmem>>
          %dma_start3A_87 = tpu.memref_squeeze %dma_start3A_86 : memref<1x80xi32, #tpu.memory_space<vmem>> -> memref<80xi32, #tpu.memory_space<vmem>>
          %dma_start3A_88 = arith.constant 0 : i32
          %dma_start3A_89 = arith.constant 0 : i32
          %dma_start3A_90 = tpu.memref_slice %arg4[%dma_start3A_88, %dma_start3A_89] : memref<10000x128xf32, #tpu.memory_space<hbm>> -> memref<10000x128xf32, #tpu.memory_space<hbm>>
          tpu.enqueue_indirect_dma source(%dma_start3A_90 : memref<10000x128xf32, #tpu.memory_space<hbm>>) target(%dma_start3A_84 : memref<80x128xf32, #tpu.memory_space<vmem>>) offsets(%dma_start3A_87 : memref<80xi32, #tpu.memory_space<vmem>>) semaphore(%run_scoped3A_80 : memref<!tpu.dma_semaphore, #tpu.memory_space<semaphore_mem>>)
          %dma_wait3A_91 = arith.constant 0 : i32
          %dma_wait3A_92 = arith.constant 0 : i32
          %dma_wait3A_93 = tpu.memref_slice %arg9[%run_scoped3A, %dma_wait3A_91, %dma_wait3A_92] : memref<2x80x128xf32, #tpu.memory_space<vmem>> -> memref<1x80x128xf32, #tpu.memory_space<vmem>>
          %dma_wait3A_94 = tpu.memref_squeeze %dma_wait3A_93 : memref<1x80x128xf32, #tpu.memory_space<vmem>> -> memref<80x128xf32, #tpu.memory_space<vmem>>
          %dma_wait3A_95 = arith.constant 0 : i32
          %dma_wait3A_96 = tpu.memref_slice %arg7[%mul3A_20, %dma_wait3A_95] : memref<64x80xi32, #tpu.memory_space<vmem>> -> memref<1x80xi32, #tpu.memory_space<vmem>>
          %dma_wait3A_97 = tpu.memref_squeeze %dma_wait3A_96 : memref<1x80xi32, #tpu.memory_space<vmem>> -> memref<80xi32, #tpu.memory_space<vmem>>
          %dma_wait3A_98 = arith.constant 0 : i32
          %dma_wait3A_99 = arith.constant 0 : i32
          %dma_wait3A_100 = tpu.memref_slice %arg4[%dma_wait3A_98, %dma_wait3A_99] : memref<10000x128xf32, #tpu.memory_space<hbm>> -> memref<10000x128xf32, #tpu.memory_space<hbm>>
          tpu.wait_indirect_dma semaphore(%run_scoped3A_80 : memref<!tpu.dma_semaphore, #tpu.memory_space<semaphore_mem>>) src(%dma_wait3A_100 : memref<10000x128xf32, #tpu.memory_space<hbm>>) dst(%dma_wait3A_94 : memref<80x128xf32, #tpu.memory_space<vmem>>)
          tpu.yield
        }) : () -> ()
        %dma_start3A = arith.constant 0 : i32
        %dma_start3A_21 = arith.constant 0 : i32
        %dma_start3A_22 = arith.constant 0 : i32
        %dma_start3A_23 = arith.constant 0 : i32
        %dma_start3A_24 = tpu.memref_slice %arg9[%dma_start3A, %dma_start3A_22, %dma_start3A_23] : memref<2x80x128xf32, #tpu.memory_space<vmem>> -> memref<1x80x128xf32, #tpu.memory_space<vmem>>
        %dma_start3A_25 = tpu.memref_squeeze %dma_start3A_24 : memref<1x80x128xf32, #tpu.memory_space<vmem>> -> memref<80x128xf32, #tpu.memory_space<vmem>>
        %dma_start3A_26 = arith.constant 0 : i32
        %dma_start3A_27 = tpu.memref_slice %arg8[%mul3A_20, %dma_start3A_26] : memref<64x80xi32, #tpu.memory_space<vmem>> -> memref<1x80xi32, #tpu.memory_space<vmem>>
        %dma_start3A_28 = tpu.memref_squeeze %dma_start3A_27 : memref<1x80xi32, #tpu.memory_space<vmem>> -> memref<80xi32, #tpu.memory_space<vmem>>
        %dma_start3A_29 = arith.constant 0 : i32
        %dma_start3A_30 = arith.constant 0 : i32
        %dma_start3A_31 = tpu.memref_slice %arg10[%dma_start3A_29, %dma_start3A_30] : memref<10240x128xf32, #tpu.memory_space<vmem_shared>> -> memref<10240x128xf32, #tpu.memory_space<vmem_shared>>
        %dma_start3A_32 = tpu.memref_slice %arg11[%dma_start3A_21] : memref<2x!tpu.dma_semaphore, #tpu.memory_space<semaphore_mem>> -> memref<1x!tpu.dma_semaphore, #tpu.memory_space<semaphore_mem>>
        %dma_start3A_33 = tpu.memref_squeeze %dma_start3A_32 : memref<1x!tpu.dma_semaphore, #tpu.memory_space<semaphore_mem>> -> memref<!tpu.dma_semaphore, #tpu.memory_space<semaphore_mem>>
        tpu.enqueue_indirect_dma source(%dma_start3A_25 : memref<80x128xf32, #tpu.memory_space<vmem>>) target(%dma_start3A_31 : memref<10240x128xf32, #tpu.memory_space<vmem_shared>>) offsets(%dma_start3A_28 : memref<80xi32, #tpu.memory_space<vmem>>) semaphore(%dma_start3A_33 : memref<!tpu.dma_semaphore, #tpu.memory_space<semaphore_mem>>) {add = true}
        %add3A_34 = arith.constant 1 : i32
        %add3A_35 = arith.addi %mul3A_20, %add3A_34 : i32
        %run_scoped3A_36 = arith.constant 1 : i32
        "tpu.region"() ({
          %run_scoped3A_80 = tpu.sem_alloc : memref<!tpu.dma_semaphore, #tpu.memory_space<semaphore_mem>>
          %dma_start3A_81 = arith.constant 0 : i32
          %dma_start3A_82 = arith.constant 0 : i32
          %dma_start3A_83 = tpu.memref_slice %arg9[%run_scoped3A_36, %dma_start3A_81, %dma_start3A_82] : memref<2x80x128xf32, #tpu.memory_space<vmem>> -> memref<1x80x128xf32, #tpu.memory_space<vmem>>
          %dma_start3A_84 = tpu.memref_squeeze %dma_start3A_83 : memref<1x80x128xf32, #tpu.memory_space<vmem>> -> memref<80x128xf32, #tpu.memory_space<vmem>>
          %dma_start3A_85 = arith.constant 0 : i32
          %dma_start3A_86 = tpu.memref_slice %arg7[%add3A_35, %dma_start3A_85] : memref<64x80xi32, #tpu.memory_space<vmem>> -> memref<1x80xi32, #tpu.memory_space<vmem>>
          %dma_start3A_87 = tpu.memref_squeeze %dma_start3A_86 : memref<1x80xi32, #tpu.memory_space<vmem>> -> memref<80xi32, #tpu.memory_space<vmem>>
          %dma_start3A_88 = arith.constant 0 : i32
          %dma_start3A_89 = arith.constant 0 : i32
          %dma_start3A_90 = tpu.memref_slice %arg4[%dma_start3A_88, %dma_start3A_89] : memref<10000x128xf32, #tpu.memory_space<hbm>> -> memref<10000x128xf32, #tpu.memory_space<hbm>>
          tpu.enqueue_indirect_dma source(%dma_start3A_90 : memref<10000x128xf32, #tpu.memory_space<hbm>>) target(%dma_start3A_84 : memref<80x128xf32, #tpu.memory_space<vmem>>) offsets(%dma_start3A_87 : memref<80xi32, #tpu.memory_space<vmem>>) semaphore(%run_scoped3A_80 : memref<!tpu.dma_semaphore, #tpu.memory_space<semaphore_mem>>)
          %dma_wait3A_91 = arith.constant 0 : i32
          %dma_wait3A_92 = arith.constant 0 : i32
          %dma_wait3A_93 = tpu.memref_slice %arg9[%run_scoped3A_36, %dma_wait3A_91, %dma_wait3A_92] : memref<2x80x128xf32, #tpu.memory_space<vmem>> -> memref<1x80x128xf32, #tpu.memory_space<vmem>>
          %dma_wait3A_94 = tpu.memref_squeeze %dma_wait3A_93 : memref<1x80x128xf32, #tpu.memory_space<vmem>> -> memref<80x128xf32, #tpu.memory_space<vmem>>
          %dma_wait3A_95 = arith.constant 0 : i32
          %dma_wait3A_96 = tpu.memref_slice %arg7[%add3A_35, %dma_wait3A_95] : memref<64x80xi32, #tpu.memory_space<vmem>> -> memref<1x80xi32, #tpu.memory_space<vmem>>
          %dma_wait3A_97 = tpu.memref_squeeze %dma_wait3A_96 : memref<1x80xi32, #tpu.memory_space<vmem>> -> memref<80xi32, #tpu.memory_space<vmem>>
          %dma_wait3A_98 = arith.constant 0 : i32
          %dma_wait3A_99 = arith.constant 0 : i32
          %dma_wait3A_100 = tpu.memref_slice %arg4[%dma_wait3A_98, %dma_wait3A_99] : memref<10000x128xf32, #tpu.memory_space<hbm>> -> memref<10000x128xf32, #tpu.memory_space<hbm>>
          tpu.wait_indirect_dma semaphore(%run_scoped3A_80 : memref<!tpu.dma_semaphore, #tpu.memory_space<semaphore_mem>>) src(%dma_wait3A_100 : memref<10000x128xf32, #tpu.memory_space<hbm>>) dst(%dma_wait3A_94 : memref<80x128xf32, #tpu.memory_space<vmem>>)
          tpu.yield
        }) : () -> ()
        %dma_wait3A = arith.constant 0 : i32
        %dma_wait3A_37 = arith.constant 0 : i32
        %dma_wait3A_38 = arith.constant 0 : i32
        %dma_wait3A_39 = arith.constant 0 : i32
        %dma_wait3A_40 = tpu.memref_slice %arg9[%dma_wait3A, %dma_wait3A_38, %dma_wait3A_39] : memref<2x80x128xf32, #tpu.memory_space<vmem>> -> memref<1x80x128xf32, #tpu.memory_space<vmem>>
        %dma_wait3A_41 = tpu.memref_squeeze %dma_wait3A_40 : memref<1x80x128xf32, #tpu.memory_space<vmem>> -> memref<80x128xf32, #tpu.memory_space<vmem>>
        %dma_wait3A_42 = arith.constant 0 : i32
        %dma_wait3A_43 = tpu.memref_slice %arg8[%mul3A_20, %dma_wait3A_42] : memref<64x80xi32, #tpu.memory_space<vmem>> -> memref<1x80xi32, #tpu.memory_space<vmem>>
        %dma_wait3A_44 = tpu.memref_squeeze %dma_wait3A_43 : memref<1x80xi32, #tpu.memory_space<vmem>> -> memref<80xi32, #tpu.memory_space<vmem>>
        %dma_wait3A_45 = arith.constant 0 : i32
        %dma_wait3A_46 = arith.constant 0 : i32
        %dma_wait3A_47 = tpu.memref_slice %arg10[%dma_wait3A_45, %dma_wait3A_46] : memref<10240x128xf32, #tpu.memory_space<vmem_shared>> -> memref<10240x128xf32, #tpu.memory_space<vmem_shared>>
        %dma_wait3A_48 = tpu.memref_slice %arg11[%dma_wait3A_37] : memref<2x!tpu.dma_semaphore, #tpu.memory_space<semaphore_mem>> -> memref<1x!tpu.dma_semaphore, #tpu.memory_space<semaphore_mem>>
        %dma_wait3A_49 = tpu.memref_squeeze %dma_wait3A_48 : memref<1x!tpu.dma_semaphore, #tpu.memory_space<semaphore_mem>> -> memref<!tpu.dma_semaphore, #tpu.memory_space<semaphore_mem>>
        tpu.wait_indirect_dma semaphore(%dma_wait3A_49 : memref<!tpu.dma_semaphore, #tpu.memory_space<semaphore_mem>>) src(%dma_wait3A_41 : memref<80x128xf32, #tpu.memory_space<vmem>>) dst(%dma_wait3A_47 : memref<10240x128xf32, #tpu.memory_space<vmem_shared>>)
        %add3A_50 = arith.constant 1 : i32
        %add3A_51 = arith.addi %mul3A_20, %add3A_50 : i32
        %dma_start3A_52 = arith.constant 1 : i32
        %dma_start3A_53 = arith.constant 1 : i32
        %dma_start3A_54 = arith.constant 0 : i32
        %dma_start3A_55 = arith.constant 0 : i32
        %dma_start3A_56 = tpu.memref_slice %arg9[%dma_start3A_52, %dma_start3A_54, %dma_start3A_55] : memref<2x80x128xf32, #tpu.memory_space<vmem>> -> memref<1x80x128xf32, #tpu.memory_space<vmem>>
        %dma_start3A_57 = tpu.memref_squeeze %dma_start3A_56 : memref<1x80x128xf32, #tpu.memory_space<vmem>> -> memref<80x128xf32, #tpu.memory_space<vmem>>
        %dma_start3A_58 = arith.constant 0 : i32
        %dma_start3A_59 = tpu.memref_slice %arg8[%add3A_51, %dma_start3A_58] : memref<64x80xi32, #tpu.memory_space<vmem>> -> memref<1x80xi32, #tpu.memory_space<vmem>>
        %dma_start3A_60 = tpu.memref_squeeze %dma_start3A_59 : memref<1x80xi32, #tpu.memory_space<vmem>> -> memref<80xi32, #tpu.memory_space<vmem>>
        %dma_start3A_61 = arith.constant 0 : i32
        %dma_start3A_62 = arith.constant 0 : i32
        %dma_start3A_63 = tpu.memref_slice %arg10[%dma_start3A_61, %dma_start3A_62] : memref<10240x128xf32, #tpu.memory_space<vmem_shared>> -> memref<10240x128xf32, #tpu.memory_space<vmem_shared>>
        %dma_start3A_64 = tpu.memref_slice %arg11[%dma_start3A_53] : memref<2x!tpu.dma_semaphore, #tpu.memory_space<semaphore_mem>> -> memref<1x!tpu.dma_semaphore, #tpu.memory_space<semaphore_mem>>
        %dma_start3A_65 = tpu.memref_squeeze %dma_start3A_64 : memref<1x!tpu.dma_semaphore, #tpu.memory_space<semaphore_mem>> -> memref<!tpu.dma_semaphore, #tpu.memory_space<semaphore_mem>>
        tpu.enqueue_indirect_dma source(%dma_start3A_57 : memref<80x128xf32, #tpu.memory_space<vmem>>) target(%dma_start3A_63 : memref<10240x128xf32, #tpu.memory_space<vmem_shared>>) offsets(%dma_start3A_60 : memref<80xi32, #tpu.memory_space<vmem>>) semaphore(%dma_start3A_65 : memref<!tpu.dma_semaphore, #tpu.memory_space<semaphore_mem>>) {add = true}
        %dma_wait3A_66 = arith.constant 1 : i32
        %dma_wait3A_67 = arith.constant 1 : i32
        %dma_wait3A_68 = arith.constant 0 : i32
        %dma_wait3A_69 = arith.constant 0 : i32
        %dma_wait3A_70 = tpu.memref_slice %arg9[%dma_wait3A_66, %dma_wait3A_68, %dma_wait3A_69] : memref<2x80x128xf32, #tpu.memory_space<vmem>> -> memref<1x80x128xf32, #tpu.memory_space<vmem>>
        %dma_wait3A_71 = tpu.memref_squeeze %dma_wait3A_70 : memref<1x80x128xf32, #tpu.memory_space<vmem>> -> memref<80x128xf32, #tpu.memory_space<vmem>>
        %dma_wait3A_72 = arith.constant 0 : i32
        %dma_wait3A_73 = tpu.memref_slice %arg8[%add3A_51, %dma_wait3A_72] : memref<64x80xi32, #tpu.memory_space<vmem>> -> memref<1x80xi32, #tpu.memory_space<vmem>>
        %dma_wait3A_74 = tpu.memref_squeeze %dma_wait3A_73 : memref<1x80xi32, #tpu.memory_space<vmem>> -> memref<80xi32, #tpu.memory_space<vmem>>
        %dma_wait3A_75 = arith.constant 0 : i32
        %dma_wait3A_76 = arith.constant 0 : i32
        %dma_wait3A_77 = tpu.memref_slice %arg10[%dma_wait3A_75, %dma_wait3A_76] : memref<10240x128xf32, #tpu.memory_space<vmem_shared>> -> memref<10240x128xf32, #tpu.memory_space<vmem_shared>>
        %dma_wait3A_78 = tpu.memref_slice %arg11[%dma_wait3A_67] : memref<2x!tpu.dma_semaphore, #tpu.memory_space<semaphore_mem>> -> memref<1x!tpu.dma_semaphore, #tpu.memory_space<semaphore_mem>>
        %dma_wait3A_79 = tpu.memref_squeeze %dma_wait3A_78 : memref<1x!tpu.dma_semaphore, #tpu.memory_space<semaphore_mem>> -> memref<!tpu.dma_semaphore, #tpu.memory_space<semaphore_mem>>
        tpu.wait_indirect_dma semaphore(%dma_wait3A_79 : memref<!tpu.dma_semaphore, #tpu.memory_space<semaphore_mem>>) src(%dma_wait3A_71 : memref<80x128xf32, #tpu.memory_space<vmem>>) dst(%dma_wait3A_77 : memref<10240x128xf32, #tpu.memory_space<vmem_shared>>)
      }
      %scan3A_17 = arith.constant 32 : i32
    }
    %scan3A_7 = arith.constant 2 : i32
    %barrier3A_8 = arith.constant 0 : index
    tpu.barrier barrier_id(%barrier3A_8)
    "tpu.region"() ({
      %run_scoped3A = tpu.sem_alloc : memref<!tpu.dma_semaphore, #tpu.memory_space<semaphore_mem>>
      %dma_start3A = arith.constant 0 : i32
      %dma_start3A_9 = tpu.memref_slice %arg6[%arg0, %mul3A_2, %dma_start3A] : memref<2x10240x128xf32, #tpu.memory_space<hbm>> -> memref<1x640x128xf32, #tpu.memory_space<hbm>>
      %dma_start3A_10 = tpu.memref_squeeze %dma_start3A_9 : memref<1x640x128xf32, #tpu.memory_space<hbm>> -> memref<640x128xf32, #tpu.memory_space<hbm>>
      %dma_start3A_11 = arith.constant 0 : i32
      %dma_start3A_12 = tpu.memref_slice %arg10[%mul3A_2, %dma_start3A_11] : memref<10240x128xf32, #tpu.memory_space<vmem_shared>> -> memref<640x128xf32, #tpu.memory_space<vmem_shared>>
      tpu.enqueue_dma source(%dma_start3A_12 : memref<640x128xf32, #tpu.memory_space<vmem_shared>>) target(%dma_start3A_10 : memref<640x128xf32, #tpu.memory_space<hbm>>) target_semaphore(%run_scoped3A : memref<!tpu.dma_semaphore, #tpu.memory_space<semaphore_mem>>)
      %dma_wait3A = arith.constant 0 : i32
      %dma_wait3A_13 = tpu.memref_slice %arg6[%arg0, %mul3A_2, %dma_wait3A] : memref<2x10240x128xf32, #tpu.memory_space<hbm>> -> memref<1x640x128xf32, #tpu.memory_space<hbm>>
      %dma_wait3A_14 = tpu.memref_squeeze %dma_wait3A_13 : memref<1x640x128xf32, #tpu.memory_space<hbm>> -> memref<640x128xf32, #tpu.memory_space<hbm>>
      %dma_wait3A_15 = arith.constant 0 : i32
      %dma_wait3A_16 = tpu.memref_slice %arg10[%mul3A_2, %dma_wait3A_15] : memref<10240x128xf32, #tpu.memory_space<vmem_shared>> -> memref<640x128xf32, #tpu.memory_space<vmem_shared>>
      tpu.wait_dma2 semaphore(%run_scoped3A : memref<!tpu.dma_semaphore, #tpu.memory_space<semaphore_mem>>) src(%dma_wait3A_16 : memref<640x128xf32, #tpu.memory_space<vmem_shared>>) dst(%dma_wait3A_14 : memref<640x128xf32, #tpu.memory_space<hbm>>)
      tpu.yield
    }) : () -> ()
    return
  }
}

module attributes {stable_mosaic.version = 14 : i64} {
  func.func @_tc_linear_body(%arg0: memref<10240x128xf32, #tpu.memory_space<vmem>>, %arg1: memref<10240x128xf32, #tpu.memory_space<vmem>>, %arg2: memref<128x128xf32, #tpu.memory_space<vmem>>, %arg3: memref<1x128xf32, #tpu.memory_space<vmem>>, %arg4: memref<10240x128xf32, #tpu.memory_space<vmem>>) attributes {dimension_semantics = [], scalar_prefetch = 0 : i64, scratch_operands = 0 : i64, tpu.core_type = #tpu.core_type<tc>} {
    %get3A = arith.constant 0 : index
    %get3A_0 = arith.constant 0 : index
    %get3A_1 = vector.load %arg0[%get3A, %get3A_0] : memref<10240x128xf32, #tpu.memory_space<vmem>>, vector<10240x128xf32>
    %get3A_2 = arith.constant 0 : index
    %get3A_3 = arith.constant 0 : index
    %get3A_4 = vector.load %arg1[%get3A_2, %get3A_3] : memref<10240x128xf32, #tpu.memory_space<vmem>>, vector<10240x128xf32>
    %add3A = arith.addf %get3A_1, %get3A_4 : vector<10240x128xf32>
    %get3A_5 = arith.constant 0 : index
    %get3A_6 = arith.constant 0 : index
    %get3A_7 = vector.load %arg2[%get3A_5, %get3A_6] : memref<128x128xf32, #tpu.memory_space<vmem>>, vector<128x128xf32>
    %dot_general3A = arith.constant dense<0.000000e+00> : vector<10240x128xf32>
    %dot_general3A_8 = tpu.matmul %add3A, %get3A_7, %dot_general3A {dimension_numbers = #tpu.dot_dimension_numbers<[1], [0], [0], [1], [0, 0, 1, 1], [], []>, transpose_lhs_hint = false} : vector<10240x128xf32>, vector<128x128xf32>, vector<10240x128xf32> -> vector<10240x128xf32>
    %get3A_9 = arith.constant 0 : index
    %get3A_10 = arith.constant 0 : index
    %get3A_11 = vector.load %arg3[%get3A_9, %get3A_10] : memref<1x128xf32, #tpu.memory_space<vmem>>, vector<1x128xf32>
    %add3A_12 = vector.broadcast %get3A_11 : vector<1x128xf32> to vector<10240x128xf32>
    %add3A_13 = arith.addf %dot_general3A_8, %add3A_12 : vector<10240x128xf32>
    %swap3A = arith.constant 0 : index
    %swap3A_14 = arith.constant 0 : index
    %swap3A_15 = vector.load %arg4[%swap3A, %swap3A_14] : memref<10240x128xf32, #tpu.memory_space<vmem>>, vector<10240x128xf32>
    tpu.vector_store %arg4[%swap3A, %swap3A_14], %add3A_13 {strides = array<i32>} : memref<10240x128xf32, #tpu.memory_space<vmem>>, vector<10240x128xf32>,
    return
  }
}

</mosaic_0001>

<sc_bundles>
// kernel: kernel.4.cloned.1.call-start
scs
__scs_entry_jumppad:
0x0: {  	(pc) =	sbr.rel $0x88, $3  }
0x1: {  	(tag) =	ssettag $0x0;
	lr =	simm.s32 $0x1  }
0x2: {  	[smem:$0x3F9D] =	sst lr;
	_ =	strace $0xD0000000  }
0x3: {  	_ = 	snop  }
0x4: {  	_ = 	snop  }
0x5: {  	_ = 	snop  }
0x6: {  	_ = 	snop  }
0x7: {  	_ = 	snop  }
__scs_overlays_trampoline_lowered:
0x8: {  	[smem:$0x3FAC] =	sst s0  }
0x9: {  	[smem:$0x3FAD] =	sst s1  }
0xa: {  	[smem:$0x3FAE] =	sst s2  }
0xb: {  	[smem:$0x3FAF] =	sst s3  }
0xc: {  	[smem:$0x3FB0] =	sst s4  }
0xd: {  	[smem:$0x3FB1] =	sst s5  }
0xe: {  	[smem:$0x3FB2] =	sst s6  }
0xf: {  	[smem:$0x3FB3] =	sst s7  }
0x10: {  	[smem:$0x3FB4] =	sst s8  }
0x11: {  	[smem:$0x3FB5] =	sst s9;
	s0 =	simm.s32 @!p0 $0x0  }
0x12: {  	s1 =	sld [smem:$0x3F9B];
	s0 =	simm.s32 @p0 $0x1  }
0x13: {  	[smem:$0x3FB6] =	sst s0;
	s0 =	simm.s32 @!p1 $0x0  }
0x14: {  	s2 =	sld [smem:$0x3F9A];
	s0 =	simm.s32 @p1 $0x1  }
0x15: {  	[smem:$0x3FB7] =	sst s0;
	s0 =	simm.s32 @!p2 $0x0  }
0x16: {  	s3 =	sld [smem:$0x3FDB];
	s0 =	simm.s32 @p2 $0x1  }
0x17: {  	s4 =	simm.s32 $0x1BF5;
	[smem:$0x3FB9] =	sst s0  }
0x18: {  	s0 =	sld [smem:$0x3F9C];
	_ =	swait.ge [sflag:s4], $0x0  }
0x19: {  	s7 =	sld [smem:$0x3F9D]  }
0x1a: {  	s8 =	sadd.s32 $0xFFFFE003, lr  }
0x1b: {  	s9 =	sadd.s32 $0xFFFFFEF7, lr;
	s5 =	simm.s32 $0xFFFFFFFF;
	p2 =	slt.u32 s8, $0xFFFFF086  }
0x1c: {  	p1 =	slt.u32 s9, $0xF7A;
	s5 =	simm.s32 @!p2 $0x0  }
0x1d: {  	s5 =	simm.s32 @p1 $0x1;
	p0 =	seq.s32 s7, s2  }
0x1e: {  	s7 =	smul.u32 @!p0 $0xF7A, s2;
	p2 =	seq.s32 @!p0 s5, $0x0  }
0x1f: {  	s9 =	smul.u32 $0xF7A, s1;
	s8 =	simm.s32 @!p0 $0x1BF5;
	p2 =	por !p2, p0  }
0x20: {  	[sflag:s8] =	ssyncset.s32 @!p0 $0xFFFFF086;
	s6 =	sadd.s32 @!p0 s3, s7;
	s7 =	simm.s32 @!p0 $0x108  }
0x21: {  	s3 =	sadd.s32 s3, s9;
	s6 =	sadd.s32 @!p0 $0x88, s6;
	s7 =	simm.s32 @p2 $0x1082  }
0x22: {  	[simem:s7], [sflag:s8] =	dma.local @!p0 [hbm:s6], $0xF7A  }
0x23: {  	s9 =	sor.u32 $0xD0000000, s2;
	s6 =	simm.s32 $0x108;
	_ =	swait.ge @!p0 [sflag:s8], $0x0  }
0x24: {  	s3 =	sadd.s32 $0x88, s3;
	s6 =	simm.s32 @!p1 $0x1082;
	[sflag:s4] =	ssyncset.s32 $0xFFFFF086  }
0x25: {  	[simem:s6], [sflag:s4] =	dma.local [hbm:s3], $0xF7A  }
0x26: {  	[smem:$0x3F9D] =	sst s1;
	(tag) =	ssettag s2;
	_ =	strace s9  }
0x27: {  	s1 =	sld [smem:$0x3FAD]  }
0x28: {  	s2 =	sld [smem:$0x3FAE]  }
0x29: {  	s4 =	sld [smem:$0x3FB0]  }
0x2a: {  	p0 =	seq.s32 s5, $0x0;
	s5 =	sld [smem:$0x3FB1]  }
0x2b: {  	s6 =	sld [smem:$0x3FB2]  }
0x2c: {  	s7 =	sld [smem:$0x3FB3]  }
0x2d: {  	s3 =	simm.s32 $0x108;
	s8 =	sld [smem:$0x3FB4]  }
0x2e: {  	s3 =	simm.s32 @!p0 $0x1082;
	s9 =	sld [smem:$0x3FB5]  }
0x2f: {  	lr =	sadd.s32 s0, s3;
	s0 =	sld [smem:$0x3FAC]  }
0x30: {  	s3 =	sld [smem:$0x3FAF]  }
0x31: {  	[smem:$0x3FB8] =	sst s10  }
0x32: {  	s10 =	sld [smem:$0x3FB6];
	_ =	sdelay $0x3  }
0x33: {  	p0 =	seq.s32 s10, $0x1;
	s10 =	sld [smem:$0x3FB8];
	_ =	sdelay $0x3  }
0x34: {  	[smem:$0x3FB8] =	sst s10  }
0x35: {  	s10 =	sld [smem:$0x3FB7];
	_ =	sdelay $0x3  }
0x36: {  	p1 =	seq.s32 s10, $0x1;
	s10 =	sld [smem:$0x3FB8];
	_ =	sdelay $0x3  }
0x37: {  	[smem:$0x3FB8] =	sst s10  }
0x38: {  	s10 =	sld [smem:$0x3FB9]  }
0x39: {  	_ = 	snop;
	(pc) =	sbr.ind lr, $3  }
0x3a: {  	_ = 	snop  }
0x3b: {  	_ = 	snop  }
0x3c: {  	p2 =	seq.s32 s10, $0x1;
	s10 =	sld [smem:$0x3FB8]  }
0x3d: {  	_ =	shalt  }
0x3e: {  	_ =	shalt  }
0x3f: {  	_ =	shalt  }
0x40: {  	_ =	shalt  }
0x41: {  	_ =	shalt  }
0x42: {  	_ =	shalt  }
0x43: {  	_ =	shalt  }
0x44: {  	_ =	shalt  }
0x45: {  	_ =	shalt  }
0x46: {  	_ =	shalt  }
0x47: {  	_ =	shalt  }
0x48: {  	_ =	shalt  }
0x49: {  	_ =	shalt  }
0x4a: {  	_ =	shalt  }
0x4b: {  	_ =	shalt  }
0x4c: {  	_ =	shalt  }
0x4d: {  	_ =	shalt  }
0x4e: {  	_ =	shalt  }
0x4f: {  	_ =	shalt  }
0x50: {  	_ =	shalt  }
0x51: {  	_ =	shalt  }
0x52: {  	_ =	shalt  }
0x53: {  	_ =	shalt  }
0x54: {  	_ =	shalt  }
0x55: {  	_ =	shalt  }
0x56: {  	_ =	shalt  }
0x57: {  	_ =	shalt  }
0x58: {  	_ =	shalt  }
0x59: {  	_ =	shalt  }
0x5a: {  	_ =	shalt  }
0x5b: {  	_ =	shalt  }
0x5c: {  	_ =	shalt  }
0x5d: {  	_ =	shalt  }
0x5e: {  	_ =	shalt  }
0x5f: {  	_ =	shalt  }
0x60: {  	_ =	shalt  }
0x61: {  	_ =	shalt  }
0x62: {  	_ =	shalt  }
0x63: {  	_ =	shalt  }
0x64: {  	_ =	shalt  }
0x65: {  	_ =	shalt  }
0x66: {  	_ =	shalt  }
0x67: {  	_ =	shalt  }
0x68: {  	_ =	shalt  }
0x69: {  	_ =	shalt  }
0x6a: {  	_ =	shalt  }
0x6b: {  	_ =	shalt  }
0x6c: {  	_ =	shalt  }
0x6d: {  	_ =	shalt  }
0x6e: {  	_ =	shalt  }
0x6f: {  	_ =	shalt  }
0x70: {  	_ =	shalt  }
0x71: {  	_ =	shalt  }
0x72: {  	_ =	shalt  }
0x73: {  	_ =	shalt  }
0x74: {  	_ =	shalt  }
0x75: {  	_ =	shalt  }
0x76: {  	_ =	shalt  }
0x77: {  	_ =	shalt  }
0x78: {  	_ =	shalt  }
0x79: {  	_ =	shalt  }
0x7a: {  	_ =	shalt  }
0x7b: {  	_ =	shalt  }
0x7c: {  	_ =	shalt  }
0x7d: {  	_ =	shalt  }
0x7e: {  	_ =	shalt  }
0x7f: {  	_ =	shalt  }
0x80: {  	_ =	shalt  }
0x81: {  	_ =	shalt  }
0x82: {  	_ =	shalt  }
0x83: {  	_ =	shalt  }
0x84: {  	_ =	shalt  }
0x85: {  	_ =	shalt  }
0x86: {  	_ =	shalt  }
0x87: {  	_ =	shalt  }
.Lfunc_end0:
.L_simem_size_0:
called_computation_lowered:
.L_overlay_start_0:
0x88: {  	s2 =	sld [smem:$0x3FD9]  }
0x89: {  	s3 =	sld [smem:$0x3FFE];
	_ =	sdelay $0x1  }
0x8a: {  	s1 =	srdreg.scid  }
0x8b: {  	s0 =	sand.u32 $0x1, s1  }
0x8c: {  	s17 =	sshll.u32 s0, $0xA;
	s2 =	sadd.s32 s3, s2  }
0x8d: {  	s2 =	sadd.s32 s2, s17  }
0x8e: {  	[smem:$0x3FC4] =	sst s2  }
0x8f: {  	_ = 	snop  }
0x90: {  	s2 =	sld [smem:$0x3FC9]  }
0x91: {  	s18 =	sld [smem:$0x3FD0];
	(tm) =	ssettm $0x1  }
0x92: {  	s4 =	sld [smem:$0x3FFB];
	_ =	sdelay $0x3  }
0x93: {  	_ =	strace s4  }
0x94: {  	s4 =	sld [smem:$0x3FFC];
	_ =	sdelay $0x3  }
0x95: {  	_ =	strace s4  }
0x96: {  	s4 =	sld [smem:$0x3FFD];
	_ =	sdelay $0x3  }
0x97: {  	_ =	strace s4  }
0x98: {  	_ =	strace $0x8FFFFFFF  }
0x99: {  	s19 =	sld [smem:$0x3FDB];
	_ =	sdelay $0x1  }
0x9a: {  	s5 =	simm.s32 $_scs_section_size  }
0x9b: {  	s6 =	simm.s32 $_size__tile_overlayer_lowered;
	s7 =	simm.s32 $_tile_overlayer_lowered  }
0x9c: {  	s22 =	simm.s32 $0x1BFF;
	s21 =	sshll.u32 s7, $0x1;
	s4 =	sadd.s32 s5, s19  }
0x9d: {  	s8 =	simm.s32 $0x0;
	s20 =	sshll.u32 s6, $0x1;
	s6 =	sadd.s32 s21, s4  }
0x9e: {  	[timem:s8], [sflag:s22] =	dma.local [hbm:s6], s20  }
0x9f: {  	_ =	swait.ge [sflag:s22], s20  }
0xa0: {  	s5 =	ssub.s32 $0x0, s20;
	[sflag:s22] =	ssyncset.done $0x0  }
0xa1: {  	[sflag:s22] =	ssyncadd.s32 s5;
	_ =	sdelay $0x1  }
0xa2: {  	s23 =	simm.s32 $0x1B8B  }
0xa3: {  	_ =	swait.ge [sflag:s23], $0x1  }
0xa4: {  	[sflag:s23] =	ssyncset.done $0x0  }
0xa5: {  	s25 =	simm.s32 $0x1B8E;
	s24 =	sld [smem:$0x3FFE];
	[sflag:s23] =	ssyncadd.s32 $0xFFFFFFFF  }
0xa6: {  	s26 =	simm.s32 $execute0_lowered;
	[smem:$0x3FD2] =	sst s25  }
0xa7: {  	s6 =	sshll.u32 s26, $0x1;
	_ =	strace $0x80000046;
	[dreg:$0x1] =	wrdreg $0xFFFFFFFF  }
0xa8: {  	s28 =	simm.s32 $_size_execute0_lowered;
	s4 =	sadd.s32 s4, s6;
	[dreg:$0x0] =	wrdreg $0x0  }
0xa9: {  	s6 =	sshll.u32 s28, $0x1;
	[dreg:$0x2] =	wrdreg s4  }
0xaa: {  	[dreg:$0x3] =	wrdreg s6  }
0xab: {  	[dreg:$0x4] =	wrdreg $0xC0  }
0xac: {  	_ =	task [dreg:s8], $0x5FFFF  }
0xad: {  	[dreg:$0x1] =	wrdreg $0xFFFFFFFF  }
0xae: {  	[dreg:$0x0] =	wrdreg $0x60  }
0xaf: {  	[dreg:$0x2] =	wrdreg s18  }
0xb0: {  	[dreg:$0x3] =	wrdreg s24  }
0xb1: {  	[dreg:$0x4] =	wrdreg s2  }
0xb2: {  	[dreg:$0x5] =	wrdreg $0x90000  }
0xb3: {  	[dreg:$0x6] =	wrdreg $0x9  }
0xb4: {  	_ =	task.clear_ibuf [dreg:s8], $0x7FFFF;
	_ =	strace $0x90000046  }
0xb5: {  	s29 =	simm.s32 $0x9;
	_ =	strace $0x80000048  }
0xb6: {  	_ =	swait.ge [sflag:s29], $0x1  }
0xb7: {  	[sflag:s29] =	ssyncadd.s32 $0xFFFFFFFF  }
0xb8: {  	_ =	strace $0x90000048  }
0xb9: {  	_ =	sfence  }
0xba: {  	s30 =	sld [smem:$0x0];
	_ =	sdelay $0x2  }
0xbb: {  	s31 =	sshll.u32 s1, $0xD;
	s1 =	sshrl.u32 s1, $0x2  }
0xbc: {  	s3 =	sand.u32 $0x4000, s31;
	s1 =	sadd.s32 s1, s30  }
0xbd: {  	s0 =	sor.u32 s3, s0;
	s1 =	sshll.u32 s1, $0x11  }
0xbe: {  	s0 =	sor.u32 s1, s0  }
0xbf: {  	s0 =	sadd.s32 $0x8F2B, s0  }
0xc0: {  	[sflag:s0] =	ssyncadd.remote.s32 $0x1  }
0xc1: {  	_ =	sfence.sel $0xFFFF  }
0xc2: {  	[dreg:$0x0] =	wrdreg $0xFFFFFFFF;
	(pc) =	sbr.abs _section_cstart, $3  }
0xc3: {  	[dreg:$0x1] =	wrdreg $0xFFFFFFFF  }
0xc4: {  	_ =	task.clear_ibuf [dreg:s8], $0x2FFFF;
	_ =	strace $0x9FFFFFFF  }
0xc5: {  	(tm) =	ssettm $0x7FFFFFFF  }
tec
execute0_lowered:
.L_overlay_start_1:
0x0: {  	(tag) =	ssettag $0x1  }
0x1: {  	s11 =	rddreg [dreg:$0x0]  }
0x2: {  	s5 =	rddreg [dreg:$0x1]  }
0x3: {  	s2 =	rddreg [dreg:$0x2]  }
0x4: {  	s3 =	rddreg [dreg:$0x3]  }
0x5: {  	s0 =	rddreg [dreg:$0x4]  }
0x6: {  	s1 =	stileid.u32;
	s6 =	srdreg.scid;
	s4 =	simm.s32 $0x0  }
0x7: {  	s16 =	simm.s32 $0x50;
	s17 =	simm.s32 $0x4000;
	s18 =	simm.s32 $0x6800  }
0x8: {  	s19 =	simm.s32 $0x1;
	s20 =	simm.s32 $0x2;
	s21 =	simm.s32 $0x0  }
0x9: {  	s7 =	smul.u32 $0x14000, s1;
	s6 =	sand.u32 $0x1, s6;
	[smem:$0x7FF] =	sst s4  }
0xa: {  	s12 =	sadd.s32 $0x200, s5;
	s28 =	smul.u32 $0x50000, s1;
	s30 =	sshll.u32 s1, $0x6  }
0xb: {  	s14 =	sshll.u32 s1, $0xB;
	s8 =	smul.u32 $0x140000, s6;
	_ =	strace $0x80000047  }
0xc: {  	s10 =	ssub.s32 $0x2, s6;
	s31 =	sshll.u32 s6, $0xF;
	s6 =	sor.u32 $0x1C03, s30  }
0xd: {  	s9 =	sshrl.u32 s7, $0x3;
	s29 =	sshrl.u32 s10, $0x1;
	s14 =	sor.u32 s14, s31  }
0xe: {  	s7 =	sadd.s32 s7, s8;
	s9 =	sadd.s32 s9, s5;
	s8 =	sshrl.u32 s28, $0x2  }
0xf: {  	s10 =	ssub.s32 s10, s29;
	s15 =	sor.u32 $0x400, s14;
	s7 =	sshrl.u32 s7, $0x3  }
0x10: {  	s13 =	sadd.s32 s8, s3;
	s8 =	smax.u32 s10, $0x1;
	s10 =	sadd.s32 s12, s14  }
0x11: {  	s12 =	sadd.s32 s12, s15;
	s7 =	sadd.s32 s7, s5;
	s5 =	sadd.s32 $0x10200, s9  }
0x12: {  	s9 =	sadd.s32 s11, s14;
	s11 =	sadd.s32 s11, s15;
	s13 =	sshrl.u32 s13, $0x3  }
0x13: {  	s14 =	simm.s32 $0x3;
	s15 =	simm.s32 $0x2000;
	s7 =	sadd.s32 $0x38200, s7  }
.LBB2_1:
0x14: {  	[spmem:s13], [sflag:s6] =	dma.local [hbm:s5], $0x2800  }
0x15: {  	_ =	swait.ge [sflag:s14], $0x2800  }
0x16: {  	[sflag:s14] =	ssyncset.done $0x0  }
0x17: {  	[sflag:s14] =	ssyncadd.s32 $0xFFFFD800  }
0x18: {  	[bflag:$0x0] =	sbarrier.arrive $0xFFFF  }
0x19: {  	[tilespmem:s4], [sflag:$0x3] =	stream.linear.gather [hbm4b:s9+s4], $0x2000, $0x38;
	[tilespmem:$0x1D000] =	vst v63  }
0x1a: {  	_ =	swait.ge [sflag:s14], $0x2000  }
0x1b: {  	[sflag:s14] =	ssyncset.done $0x0  }
0x1c: {  	[sflag:s14] =	ssyncadd.s32 $0xFFFFE000  }
0x1d: {  	[tilespmem:s15], [sflag:$0x3] =	stream.linear.gather [hbm4b:s10+s4], $0x2000, $0x38;
	[tilespmem:$0x1D000] =	vst v63  }
0x1e: {  	_ =	swait.ge [sflag:s14], $0x2000  }
0x1f: {  	[sflag:s14] =	ssyncset.done $0x0  }
0x20: {  	s22 =	simm.s32 $0x0;
	[sflag:s14] =	ssyncadd.s32 $0xFFFFE000  }
0x21: {  	[tilespmem:s17], [sflag:$0x3] =	stream.indirect.gather [hbm4b:s2+s16], $0x80, s22, s16, $0xb8;
	[tilespmem:$0x1D000] =	vst v63  }
0x22: {  	_ =	swait.ge [sflag:s14], $0x2800  }
0x23: {  	[sflag:s14] =	ssyncset.done $0x0  }
0x24: {  	s29 =	simm.s32 $0x2000;
	[sflag:s14] =	ssyncadd.s32 $0xFFFFD800  }
0x25: {  	[spmem:s3] =	stream.indirect.scatter.add.f32 [tilespmem:s17], [sflag:$0x1], $0x80, s29, s16, $0xb8;
	[tilespmem:$0x1D000] =	vst v63  }
0x26: {  	s30 =	simm.s32 $0x80  }
0x27: {  	[tilespmem:s18], [sflag:$0x3] =	stream.indirect.gather [hbm4b:s2+s16], $0x80, s30, s16, $0xb8;
	[tilespmem:$0x1D000] =	vst v63  }
0x28: {  	_ =	swait.ge [sflag:s14], $0x2800  }
0x29: {  	[sflag:s14] =	ssyncset.done $0x0  }
0x2a: {  	[sflag:s14] =	ssyncadd.s32 $0xFFFFD800  }
0x2b: {  	_ =	swait.ge [sflag:s19], $0x2800  }
0x2c: {  	[sflag:s19] =	ssyncset.done $0x0  }
0x2d: {  	s31 =	simm.s32 $0x2080;
	[sflag:s19] =	ssyncadd.s32 $0xFFFFD800  }
0x2e: {  	[spmem:s3] =	stream.indirect.scatter.add.f32 [tilespmem:s18], [sflag:$0x2], $0x80, s31, s16, $0xb8;
	[tilespmem:$0x1D000] =	vst v63  }
0x2f: {  	_ =	swait.ge [sflag:s20], $0x2800  }
0x30: {  	s23 =	simm.s32 $0x800;
	s22 =	simm.s32 $0x400;
	[sflag:s20] =	ssyncset.done $0x0  }
.LBB2_2:
0x31: {  	s24 =	sshra.s32 s22, $0x2  }
0x32: {  	[sflag:s20] =	ssyncadd.s32 $0xFFFFD800;
	s22 =	smov.u32 s23;
	s25 =	sadd.s32 $0x400, s23  }
0x33: {  	[tilespmem:s17], [sflag:$0x3] =	stream.indirect.gather [hbm4b:s2+s16], $0x80, s24, s16, $0xb8;
	[tilespmem:$0x1D000] =	vst v63  }
0x34: {  	p0 =	sne.s32 s23, $0x7C00;
	_ =	swait.ge [sflag:s14], $0x2800  }
0x35: {  	[sflag:s14] =	ssyncset.done $0x0  }
0x36: {  	s23 =	sadd.s32 $0x2000, s24;
	[sflag:s14] =	ssyncadd.s32 $0xFFFFD800  }
0x37: {  	[spmem:s3] =	stream.indirect.scatter.add.f32 [tilespmem:s17], [sflag:$0x1], $0x80, s23, s16, $0xb8;
	[tilespmem:$0x1D000] =	vst v63  }
0x38: {  	s23 =	sadd.s32 $0x80, s24  }
0x39: {  	[tilespmem:s18], [sflag:$0x3] =	stream.indirect.gather [hbm4b:s2+s16], $0x80, s23, s16, $0xb8;
	[tilespmem:$0x1D000] =	vst v63  }
0x3a: {  	_ =	swait.ge [sflag:s14], $0x2800  }
0x3b: {  	[sflag:s14] =	ssyncset.done $0x0  }
0x3c: {  	[sflag:s14] =	ssyncadd.s32 $0xFFFFD800  }
0x3d: {  	_ =	swait.ge [sflag:s19], $0x2800  }
.Ltmp0:
0x3e: {  	[sflag:s19] =	ssyncset.done $0x0;
	(pc) =	sbr.rel @p0 .LBB2_2-.Ltmp0, $4  }
0x3f: {  	s23 =	sadd.s32 $0x2080, s24;
	[sflag:s19] =	ssyncadd.s32 $0xFFFFD800  }
0x40: {  	[spmem:s3] =	stream.indirect.scatter.add.f32 [tilespmem:s18], [sflag:$0x2], $0x80, s23, s16, $0xb8;
	[tilespmem:$0x1D000] =	vst v63  }
0x41: {  	_ =	swait.ge [sflag:s20], $0x2800  }
0x42: {  	s23 =	smov.u32 s25;
	[sflag:s20] =	ssyncset.done $0x0  }
0x43: {  	s22 =	sshra.s32 s22, $0x2;
	[sflag:s20] =	ssyncadd.s32 $0xFFFFD800  }
0x44: {  	[tilespmem:s17], [sflag:$0x3] =	stream.indirect.gather [hbm4b:s2+s16], $0x80, s22, s16, $0xb8;
	[tilespmem:$0x1D000] =	vst v63  }
0x45: {  	_ =	swait.ge [sflag:s14], $0x2800  }
0x46: {  	[sflag:s14] =	ssyncset.done $0x0  }
0x47: {  	s23 =	sadd.s32 $0x2000, s22;
	[sflag:s14] =	ssyncadd.s32 $0xFFFFD800  }
0x48: {  	[spmem:s3] =	stream.indirect.scatter.add.f32 [tilespmem:s17], [sflag:$0x1], $0x80, s23, s16, $0xb8;
	[tilespmem:$0x1D000] =	vst v63  }
0x49: {  	s25 =	sadd.s32 $0x80, s22  }
0x4a: {  	[tilespmem:s18], [sflag:$0x3] =	stream.indirect.gather [hbm4b:s2+s16], $0x80, s25, s16, $0xb8;
	[tilespmem:$0x1D000] =	vst v63  }
0x4b: {  	_ =	swait.ge [sflag:s14], $0x2800  }
0x4c: {  	[sflag:s14] =	ssyncset.done $0x0  }
0x4d: {  	[sflag:s14] =	ssyncadd.s32 $0xFFFFD800  }
0x4e: {  	_ =	swait.ge [sflag:s19], $0x2800  }
0x4f: {  	[sflag:s19] =	ssyncset.done $0x0  }
0x50: {  	s22 =	sadd.s32 $0x2080, s22;
	[sflag:s19] =	ssyncadd.s32 $0xFFFFD800  }
0x51: {  	[spmem:s3] =	stream.indirect.scatter.add.f32 [tilespmem:s18], [sflag:$0x2], $0x80, s22, s16, $0xb8;
	[tilespmem:$0x1D000] =	vst v63  }
0x52: {  	_ =	swait.ge [sflag:s20], $0x2800  }
0x53: {  	[sflag:s20] =	ssyncset.done $0x0  }
0x54: {  	s26 =	simm.s32 $0x0;
	[sflag:s20] =	ssyncadd.s32 $0xFFFFD800  }
0x55: {  	[tilespmem:s26], [sflag:$0x3] =	stream.linear.gather [hbm4b:s11+s26], $0x2000, $0x38;
	[tilespmem:$0x1D000] =	vst v63  }
0x56: {  	_ =	swait.ge [sflag:s14], $0x2000  }
0x57: {  	[sflag:s14] =	ssyncset.done $0x0  }
0x58: {  	[sflag:s14] =	ssyncadd.s32 $0xFFFFE000  }
0x59: {  	[tilespmem:s15], [sflag:$0x3] =	stream.linear.gather [hbm4b:s12+s26], $0x2000, $0x38;
	[tilespmem:$0x1D000] =	vst v63  }
0x5a: {  	_ =	swait.ge [sflag:s14], $0x2000  }
0x5b: {  	[sflag:s14] =	ssyncset.done $0x0  }
0x5c: {  	s28 =	simm.s32 $0x0;
	[sflag:s14] =	ssyncadd.s32 $0xFFFFE000  }
0x5d: {  	[tilespmem:s17], [sflag:$0x3] =	stream.indirect.gather [hbm4b:s2+s16], $0x80, s28, s16, $0xb8;
	[tilespmem:$0x1D000] =	vst v63  }
0x5e: {  	_ =	swait.ge [sflag:s14], $0x2800  }
0x5f: {  	[sflag:s14] =	ssyncset.done $0x0  }
0x60: {  	s29 =	simm.s32 $0x2000;
	[sflag:s14] =	ssyncadd.s32 $0xFFFFD800  }
0x61: {  	[spmem:s3] =	stream.indirect.scatter.add.f32 [tilespmem:s17], [sflag:$0x1], $0x80, s29, s16, $0xb8;
	[tilespmem:$0x1D000] =	vst v63  }
0x62: {  	s30 =	simm.s32 $0x80  }
0x63: {  	[tilespmem:s18], [sflag:$0x3] =	stream.indirect.gather [hbm4b:s2+s16], $0x80, s30, s16, $0xb8;
	[tilespmem:$0x1D000] =	vst v63  }
0x64: {  	_ =	swait.ge [sflag:s14], $0x2800  }
0x65: {  	[sflag:s14] =	ssyncset.done $0x0  }
0x66: {  	[sflag:s14] =	ssyncadd.s32 $0xFFFFD800  }
0x67: {  	_ =	swait.ge [sflag:s19], $0x2800  }
0x68: {  	[sflag:s19] =	ssyncset.done $0x0  }
0x69: {  	s31 =	simm.s32 $0x2080;
	[sflag:s19] =	ssyncadd.s32 $0xFFFFD800  }
0x6a: {  	[spmem:s3] =	stream.indirect.scatter.add.f32 [tilespmem:s18], [sflag:$0x2], $0x80, s31, s16, $0xb8;
	[tilespmem:$0x1D000] =	vst v63  }
0x6b: {  	_ =	swait.ge [sflag:s20], $0x2800  }
0x6c: {  	s23 =	simm.s32 $0x800;
	s22 =	simm.s32 $0x400;
	[sflag:s20] =	ssyncset.done $0x0  }
.LBB2_4:
0x6d: {  	s24 =	sshra.s32 s22, $0x2  }
0x6e: {  	[sflag:s20] =	ssyncadd.s32 $0xFFFFD800;
	s22 =	smov.u32 s23;
	s25 =	sadd.s32 $0x400, s23  }
0x6f: {  	[tilespmem:s17], [sflag:$0x3] =	stream.indirect.gather [hbm4b:s2+s16], $0x80, s24, s16, $0xb8;
	[tilespmem:$0x1D000] =	vst v63  }
0x70: {  	p0 =	sne.s32 s23, $0x7C00;
	_ =	swait.ge [sflag:s14], $0x2800  }
0x71: {  	[sflag:s14] =	ssyncset.done $0x0  }
0x72: {  	s23 =	sadd.s32 $0x2000, s24;
	[sflag:s14] =	ssyncadd.s32 $0xFFFFD800  }
0x73: {  	[spmem:s3] =	stream.indirect.scatter.add.f32 [tilespmem:s17], [sflag:$0x1], $0x80, s23, s16, $0xb8;
	[tilespmem:$0x1D000] =	vst v63  }
0x74: {  	s23 =	sadd.s32 $0x80, s24  }
0x75: {  	[tilespmem:s18], [sflag:$0x3] =	stream.indirect.gather [hbm4b:s2+s16], $0x80, s23, s16, $0xb8;
	[tilespmem:$0x1D000] =	vst v63  }
0x76: {  	_ =	swait.ge [sflag:s14], $0x2800  }
0x77: {  	[sflag:s14] =	ssyncset.done $0x0  }
0x78: {  	[sflag:s14] =	ssyncadd.s32 $0xFFFFD800  }
0x79: {  	_ =	swait.ge [sflag:s19], $0x2800  }
.Ltmp1:
0x7a: {  	[sflag:s19] =	ssyncset.done $0x0;
	(pc) =	sbr.rel @p0 .LBB2_4-.Ltmp1, $4  }
0x7b: {  	s23 =	sadd.s32 $0x2080, s24;
	[sflag:s19] =	ssyncadd.s32 $0xFFFFD800  }
0x7c: {  	[spmem:s3] =	stream.indirect.scatter.add.f32 [tilespmem:s18], [sflag:$0x2], $0x80, s23, s16, $0xb8;
	[tilespmem:$0x1D000] =	vst v63  }
0x7d: {  	_ =	swait.ge [sflag:s20], $0x2800  }
0x7e: {  	s23 =	smov.u32 s25;
	[sflag:s20] =	ssyncset.done $0x0  }
0x7f: {  	s22 =	sshra.s32 s22, $0x2;
	[sflag:s20] =	ssyncadd.s32 $0xFFFFD800  }
0x80: {  	[tilespmem:s17], [sflag:$0x3] =	stream.indirect.gather [hbm4b:s2+s16], $0x80, s22, s16, $0xb8;
	[tilespmem:$0x1D000] =	vst v63  }
0x81: {  	_ =	swait.ge [sflag:s14], $0x2800  }
0x82: {  	[sflag:s14] =	ssyncset.done $0x0  }
0x83: {  	s23 =	sadd.s32 $0x2000, s22;
	[sflag:s14] =	ssyncadd.s32 $0xFFFFD800  }
0x84: {  	[spmem:s3] =	stream.indirect.scatter.add.f32 [tilespmem:s17], [sflag:$0x1], $0x80, s23, s16, $0xb8;
	[tilespmem:$0x1D000] =	vst v63  }
0x85: {  	s31 =	sadd.s32 $0x80, s22  }
0x86: {  	[tilespmem:s18], [sflag:$0x3] =	stream.indirect.gather [hbm4b:s2+s16], $0x80, s31, s16, $0xb8;
	[tilespmem:$0x1D000] =	vst v63  }
0x87: {  	_ =	swait.ge [sflag:s14], $0x2800  }
0x88: {  	[sflag:s14] =	ssyncset.done $0x0  }
0x89: {  	[sflag:s14] =	ssyncadd.s32 $0xFFFFD800  }
0x8a: {  	_ =	swait.ge [sflag:s19], $0x2800  }
0x8b: {  	[sflag:s19] =	ssyncset.done $0x0  }
0x8c: {  	s22 =	sadd.s32 $0x2080, s22;
	[sflag:s19] =	ssyncadd.s32 $0xFFFFD800  }
0x8d: {  	[spmem:s3] =	stream.indirect.scatter.add.f32 [tilespmem:s18], [sflag:$0x2], $0x80, s22, s16, $0xb8;
	[tilespmem:$0x1D000] =	vst v63  }
0x8e: {  	_ =	swait.ge [sflag:s20], $0x2800  }
0x8f: {  	s21 =	sadd.s32 $0x1, s21;
	[sflag:s20] =	ssyncset.done $0x0  }
0x90: {  	p0 =	sne.s32 s21, s8;
	[sflag:s20] =	ssyncadd.s32 $0xFFFFD800  }
.Ltmp2:
0x91: {  	[bflag:$0x0] =	sbarrier.arrive $0xFFFF;
	(pc) =	sbr.rel @p0 .LBB2_1-.Ltmp2, $4  }
0x92: {  	[hbm:s7], [sflag:s6] =	dma.local [spmem:s13], $0x2800  }
0x93: {  	_ =	swait.ge [sflag:s14], $0x2800  }
0x94: {  	[sflag:s14] =	ssyncset.done $0x0  }
0x95: {  	[sflag:s14] =	ssyncadd.s32 $0xFFFFD800  }
0x96: {  	_ =	sfence.sel $0x180000  }
0x97: {  	[bflag:$0x0] =	sbarrier.arrive $0xFFFF  }
0x98: {  	p0 =	sne.s32 s1, $0x0;
	_ =	strace $0x90000047  }
0x99: {  	s0 =	sadd.s32 @!p0 $0x100000, s0;
	[bflag:$0x2] =	sbarrier.arrive $0xFFFF  }
0x9a: {  	[sflag:s0] =	ssyncadd.tile.s32 @!p0 $0x1;
	_ =	shalt  }
.Lfunc_end2:
_tile_overlayer_lowered:
.L_overlay_start_2:
0x9b: {  	(tag) =	ssettag $0x2  }
0x9c: {  	s0 =	rddreg [dreg:$0x0];
	s2 =	stileid.u32  }
0x9d: {  	s1 =	rddreg [dreg:$0x1];
	p0 =	sne.s32 s2, $0x0  }
0x9e: {  	s3 =	rddreg [dreg:$0x2];
	[bflag:$0x3] =	sbarrier.arrive $0xFFFF;
	s2 =	simm.s32 @!p0 $0x1C03  }
0x9f: {  	[timem:s3], [sflag:s2] =	dma.local @!p0 [hbm:s0], s1  }
0xa0: {  	s0 =	simm.s32 @!p0 $0x3  }
0xa1: {  	_ =	swait.ge @!p0 [sflag:s0], s1  }
0xa2: {  	s1 =	ssub.s32 @!p0 $0x0, s1;
	[sflag:s0] =	ssyncset.done @!p0 $0x0  }
0xa3: {  	[sflag:s0] =	ssyncadd.s32 @!p0 s1  }
0xa4: {  	[bflag:$0x3] =	sbarrier.arrive $0xFFFF  }
0xa5: {  	_ =	shalt  }

</sc_bundles>
